<compile_context>
chip_gen: v7x
topology: tpu7x:2x2x1
jax: 0.10.2.dev20260603
libtpu: 0.0.44.dev20260713+nightly
codegen_flags: <defaults>
</compile_context>

<pallas_src>
import functools

import jax
import jax.numpy as jnp
from jax import lax
from jax.experimental import pallas as pl
from jax.experimental.pallas import tpu as pltpu
from jax.experimental.pallas import tpu_sc as plsc

NC = 2
NS = 16
NW = NC * NS


def _sc_aggregate(feat, src, dst, n_pad, chunk):
    n, d = feat.shape
    e = src.shape[0]
    ew = e // NW
    n_iter = ew // chunk
    rows_per_tile = n_pad // NS
    zcopies = rows_per_tile // chunk

    mesh = plsc.VectorSubcoreMesh(core_axis_name="c", subcore_axis_name="s")

    @functools.partial(
        pl.kernel,
        mesh=mesh,
        out_type=(
            jax.ShapeDtypeStruct((NC * n_pad, d), jnp.float32),
            jax.ShapeDtypeStruct((NC * n_pad,), jnp.float32),
        ),
        scratch_types=[
            pltpu.VMEM((chunk,), jnp.int32),
            pltpu.VMEM((chunk,), jnp.int32),
            pltpu.VMEM((chunk, d), jnp.float32),
            pltpu.VMEM((chunk,), jnp.float32),
            pltpu.VMEM((rows_per_tile,), jnp.float32),
            pltpu.VMEM_SHARED((n_pad, d), jnp.float32),
            pltpu.VMEM_SHARED((n_pad,), jnp.float32),
            pltpu.SemaphoreType.DMA,
        ],
    )
    def sc_kernel(feat_hbm, src_hbm, dst_hbm, agg_out, deg_out,
                  src_idx, dst_idx, rows, ones_v, dzero, agg_sh, deg_sh, sem):
        c = lax.axis_index("c")
        s = lax.axis_index("s")
        wid = s * NC + c
        base_r = s * rows_per_tile

        zeros16 = jnp.zeros((16,), jnp.float32)
        ones16 = jnp.ones((16,), jnp.float32)

        def zrow_body(i, _):
            for j in range(d // 16):
                rows[i, pl.ds(j * 16, 16)] = zeros16
            return _
        lax.fori_loop(0, chunk, zrow_body, None)

        def dz_body(i, _):
            dzero[pl.ds(i * 16, 16)] = zeros16
            return _
        lax.fori_loop(0, rows_per_tile // 16, dz_body, None)

        def ones_body(i, _):
            ones_v[pl.ds(i * 16, 16)] = ones16
            return _
        lax.fori_loop(0, chunk // 16, ones_body, None)

        for k in range(zcopies):
            pltpu.sync_copy(rows, agg_sh.at[pl.ds(base_r + k * chunk, chunk)])
        pltpu.sync_copy(dzero, deg_sh.at[pl.ds(base_r, rows_per_tile)])
        plsc.subcore_barrier()

        ebase = wid * ew

        def edge_body(j, _):
            off = pl.multiple_of(ebase + j * chunk, 8)
            pltpu.sync_copy(src_hbm.at[pl.ds(off, chunk)], src_idx)
            pltpu.sync_copy(dst_hbm.at[pl.ds(off, chunk)], dst_idx)
            pltpu.async_copy(feat_hbm.at[src_idx], rows, sem).wait()
            pltpu.sync_copy(rows, agg_sh.at[dst_idx], add=True)
            pltpu.sync_copy(ones_v, deg_sh.at[dst_idx], add=True)
            return _
        lax.fori_loop(0, n_iter, edge_body, None)

        plsc.subcore_barrier()

        out_r = pl.multiple_of(c * n_pad + base_r, 8)
        pltpu.sync_copy(agg_sh.at[pl.ds(base_r, rows_per_tile)],
                        agg_out.at[pl.ds(out_r, rows_per_tile)])
        pltpu.sync_copy(deg_sh.at[pl.ds(base_r, rows_per_tile)],
                        deg_out.at[pl.ds(out_r, rows_per_tile)])

    return sc_kernel(feat, src, dst)


def _tc_combine(feat, agg_parts, deg_parts, w_self, w_neigh, b, blk):
    n, d = feat.shape
    d_out = w_self.shape[1]
    grid = n // blk
    deg3 = deg_parts[:, :, None]
    b2 = b[None, :]

    def body(feat_ref, agg_ref, deg_ref, ws_ref, wn_ref, b_ref, out_ref):
        agg = agg_ref[0] + agg_ref[1]
        deg = jnp.maximum(deg_ref[0] + deg_ref[1], 1.0)
        h = agg / deg
        out_ref[...] = (
            jnp.dot(feat_ref[...], ws_ref[...],
                    preferred_element_type=jnp.float32)
            + jnp.dot(h, wn_ref[...], preferred_element_type=jnp.float32)
            + b_ref[...]
        )

    return pl.pallas_call(
        body,
        grid=(grid,),
        in_specs=[
            pl.BlockSpec((blk, d), lambda i: (i, 0)),
            pl.BlockSpec((NC, blk, d), lambda i: (0, i, 0)),
            pl.BlockSpec((NC, blk, 1), lambda i: (0, i, 0)),
            pl.BlockSpec((d, d_out), lambda i: (0, 0)),
            pl.BlockSpec((d, d_out), lambda i: (0, 0)),
            pl.BlockSpec((1, d_out), lambda i: (0, 0)),
        ],
        out_specs=pl.BlockSpec((blk, d_out), lambda i: (i, 0)),
        out_shape=jax.ShapeDtypeStruct((n, d_out), jnp.float32),
    )(feat, agg_parts, deg3, w_self, w_neigh, b2)


def kernel(feat, edge_index, W_self, W_neigh, b):
    n, d = feat.shape
    chunk = 80
    n_pad = -(-n // (NS * chunk)) * (NS * chunk)
    src = edge_index[0]
    dst = edge_index[1]
    agg_flat, deg_flat = _sc_aggregate(feat, src, dst, n_pad, chunk=chunk)
    agg_parts = agg_flat.reshape(NC, n_pad, d)
    deg_parts = deg_flat.reshape(NC, n_pad)
    out = _tc_combine(feat, agg_parts, deg_parts, W_self, W_neigh, b, blk=2000)
    return out

# --- scband reference (transcript-rebuilt; emitter-appended) ---
"""Pipeline reference for scband-sagelayer-30193620090944 (READ-ONLY COPY).

The authoritative reference and input builder live on the scoring server;
editing this copy changes nothing except your own understanding.
"""

import jax, jax.numpy as jnp
import numpy as np

N = 10000
E = 320000
D_IN = 128
D_OUT = 128


def setup_inputs(seed: int = 0) -> dict:
    key = jax.random.key(seed)
    k1, k2, k3, k4, k5 = jax.random.split(key, 5)
    feat = jax.random.normal(k1, (N, D_IN), dtype=jnp.float32)
    edge_index = jax.random.randint(k2, (2, E), 0, N, dtype=jnp.int32)
    # Learned params matching DGL SAGEConv(in_dim, out_dim, 'mean'):
    # fc_self (no bias), fc_neigh (no bias), plus a shared bias term.
    scale = 1.0 / np.sqrt(D_IN)
    W_self = jax.random.normal(k3, (D_IN, D_OUT), dtype=jnp.float32) * scale
    W_neigh = jax.random.normal(k4, (D_IN, D_OUT), dtype=jnp.float32) * scale
    b = jax.random.normal(k5, (D_OUT,), dtype=jnp.float32) * 0.01
    return {"feat": feat, "edge_index": edge_index, "W_self": W_self, "W_neigh": W_neigh, "b": b}


def reference(feat, edge_index, W_self, W_neigh, b):
    # DGL SAGEConv with 'mean' aggregator:
    # h_neigh[v] = mean_{u in N_in(v)} feat[u]
    # out = feat @ W_self + h_neigh @ W_neigh + b
    src = edge_index[0]
    dst = edge_index[1]
    msg = jnp.take(feat, src, axis=0)                      # gather  [E, D_IN]
    agg = jax.ops.segment_sum(msg, dst, num_segments=N)    # scatter-add [N, D_IN]
    ones = jnp.ones((E,), dtype=feat.dtype)
    deg = jax.ops.segment_sum(ones, dst, num_segments=N)   # in-degree [N]
    h_neigh = agg / jnp.maximum(deg, 1.0)[:, None]
    out = feat @ W_self + h_neigh @ W_neigh + b
    return out

if __name__ == "__main__":
    import jax
    _d = setup_inputs()
    print(jax.jit(kernel)(*tuple(_d.values())))

</pallas_src>

<mosaic_0001>
#map = affine_map<(d0, d1) -> (0, 0)>
#map1 = affine_map<(d0, d1) -> (0)>
module attributes {stable_mosaic.version = 14 : i64} {
  func.func @sc_kernel(%arg0: i32, %arg1: i32, %arg2: memref<10000x128xf32, #tpu.memory_space<hbm>>, %arg3: memref<320000xi32, #tpu.memory_space<hbm>>, %arg4: memref<320000xi32, #tpu.memory_space<hbm>>, %arg5: memref<20480x128xf32, #tpu.memory_space<hbm>>, %arg6: memref<20480xf32, #tpu.memory_space<hbm>>, %arg7: memref<80xi32, #tpu.memory_space<vmem>>, %arg8: memref<80xi32, #tpu.memory_space<vmem>>, %arg9: memref<80x128xf32, #tpu.memory_space<vmem>>, %arg10: memref<80xf32, #tpu.memory_space<vmem>>, %arg11: memref<640xf32, #tpu.memory_space<vmem>>, %arg12: memref<10240x128xf32, #tpu.memory_space<vmem_shared>>, %arg13: memref<10240xf32, #tpu.memory_space<vmem_shared>>, %arg14: memref<!tpu.dma_semaphore, #tpu.memory_space<semaphore_mem>>) attributes {dimension_semantics = [#tpu.dimension_semantics<core_parallel>, #tpu.dimension_semantics<subcore_parallel>], iteration_bounds = array<i64: 2, 16>, scalar_prefetch = 0 : i64, scratch_operands = 8 : i64, tpu.core_type = #tpu.core_type<sc_vector_subcore>, window_params = [{transform_indices = #map}, {transform_indices = #map1}, {transform_indices = #map1}, {transform_indices = #map}, {transform_indices = #map1}]} {
    %mul3A = arith.constant 2 : i32
    %mul3A_0 = arith.muli %arg1, %mul3A : i32
    %add3A = arith.addi %mul3A_0, %arg0 : i32
    %mul3A_1 = arith.constant 640 : i32
    %mul3A_2 = arith.muli %arg1, %mul3A_1 : i32
    %broadcast_in_dim3A = arith.constant 0.000000e+00 : f32
    %broadcast_in_dim3A_3 = vector.broadcast %broadcast_in_dim3A : f32 to vector<16xf32>
    %broadcast_in_dim3A_4 = arith.constant 1.000000e+00 : f32
    %broadcast_in_dim3A_5 = vector.broadcast %broadcast_in_dim3A_4 : f32 to vector<16xf32>
    %scan3A = arith.constant 0 : i32
    %scan3A_6 = arith.constant 80 : i32
    %scan3A_7 = arith.addi %scan3A, %scan3A_6 : i32
    %scan3A_8 = arith.constant 1 : i32
    scf.for %scan3A_47 = %scan3A to %scan3A_7 step %scan3A_8  : i32 {
      %swap3A = arith.index_cast %scan3A_47 : i32 to index
      %swap3A_48 = arith.constant 0 : index
      %swap3A_49 = tpu.vector_load %arg9[%swap3A, %swap3A_48] {strides = array<i32>} : memref<80x128xf32, #tpu.memory_space<vmem>>, vector<1x16xf32>,
      %swap3A_50 = vector.shape_cast %swap3A_49 : vector<1x16xf32> to vector<16xf32>
      %swap3A_51 = vector.shape_cast %broadcast_in_dim3A_3 : vector<16xf32> to vector<1x16xf32>
      tpu.vector_store %arg9[%swap3A, %swap3A_48], %swap3A_51 {strides = array<i32>} : memref<80x128xf32, #tpu.memory_space<vmem>>, vector<1x16xf32>,
      %swap3A_52 = arith.index_cast %scan3A_47 : i32 to index
      %swap3A_53 = arith.constant 16 : index
      %swap3A_54 = tpu.vector_load %arg9[%swap3A_52, %swap3A_53] {strides = array<i32>} : memref<80x128xf32, #tpu.memory_space<vmem>>, vector<1x16xf32>,
      %swap3A_55 = vector.shape_cast %swap3A_54 : vector<1x16xf32> to vector<16xf32>
      %swap3A_56 = vector.shape_cast %broadcast_in_dim3A_3 : vector<16xf32> to vector<1x16xf32>
      tpu.vector_store %arg9[%swap3A_52, %swap3A_53], %swap3A_56 {strides = array<i32>} : memref<80x128xf32, #tpu.memory_space<vmem>>, vector<1x16xf32>,
      %swap3A_57 = arith.index_cast %scan3A_47 : i32 to index
      %swap3A_58 = arith.constant 32 : index
      %swap3A_59 = tpu.vector_load %arg9[%swap3A_57, %swap3A_58] {strides = array<i32>} : memref<80x128xf32, #tpu.memory_space<vmem>>, vector<1x16xf32>,
      %swap3A_60 = vector.shape_cast %swap3A_59 : vector<1x16xf32> to vector<16xf32>
      %swap3A_61 = vector.shape_cast %broadcast_in_dim3A_3 : vector<16xf32> to vector<1x16xf32>
      tpu.vector_store %arg9[%swap3A_57, %swap3A_58], %swap3A_61 {strides = array<i32>} : memref<80x128xf32, #tpu.memory_space<vmem>>, vector<1x16xf32>,
      %swap3A_62 = arith.index_cast %scan3A_47 : i32 to index
      %swap3A_63 = arith.constant 48 : index
      %swap3A_64 = tpu.vector_load %arg9[%swap3A_62, %swap3A_63] {strides = array<i32>} : memref<80x128xf32, #tpu.memory_space<vmem>>, vector<1x16xf32>,
      %swap3A_65 = vector.shape_cast %swap3A_64 : vector<1x16xf32> to vector<16xf32>
      %swap3A_66 = vector.shape_cast %broadcast_in_dim3A_3 : vector<16xf32> to vector<1x16xf32>
      tpu.vector_store %arg9[%swap3A_62, %swap3A_63], %swap3A_66 {strides = array<i32>} : memref<80x128xf32, #tpu.memory_space<vmem>>, vector<1x16xf32>,
      %swap3A_67 = arith.index_cast %scan3A_47 : i32 to index
      %swap3A_68 = arith.constant 64 : index
      %swap3A_69 = tpu.vector_load %arg9[%swap3A_67, %swap3A_68] {strides = array<i32>} : memref<80x128xf32, #tpu.memory_space<vmem>>, vector<1x16xf32>,
      %swap3A_70 = vector.shape_cast %swap3A_69 : vector<1x16xf32> to vector<16xf32>
      %swap3A_71 = vector.shape_cast %broadcast_in_dim3A_3 : vector<16xf32> to vector<1x16xf32>
      tpu.vector_store %arg9[%swap3A_67, %swap3A_68], %swap3A_71 {strides = array<i32>} : memref<80x128xf32, #tpu.memory_space<vmem>>, vector<1x16xf32>,
      %swap3A_72 = arith.index_cast %scan3A_47 : i32 to index
      %swap3A_73 = arith.constant 80 : index
      %swap3A_74 = tpu.vector_load %arg9[%swap3A_72, %swap3A_73] {strides = array<i32>} : memref<80x128xf32, #tpu.memory_space<vmem>>, vector<1x16xf32>,
      %swap3A_75 = vector.shape_cast %swap3A_74 : vector<1x16xf32> to vector<16xf32>
      %swap3A_76 = vector.shape_cast %broadcast_in_dim3A_3 : vector<16xf32> to vector<1x16xf32>
      tpu.vector_store %arg9[%swap3A_72, %swap3A_73], %swap3A_76 {strides = array<i32>} : memref<80x128xf32, #tpu.memory_space<vmem>>, vector<1x16xf32>,
      %swap3A_77 = arith.index_cast %scan3A_47 : i32 to index
      %swap3A_78 = arith.constant 96 : index
      %swap3A_79 = tpu.vector_load %arg9[%swap3A_77, %swap3A_78] {strides = array<i32>} : memref<80x128xf32, #tpu.memory_space<vmem>>, vector<1x16xf32>,
      %swap3A_80 = vector.shape_cast %swap3A_79 : vector<1x16xf32> to vector<16xf32>
      %swap3A_81 = vector.shape_cast %broadcast_in_dim3A_3 : vector<16xf32> to vector<1x16xf32>
      tpu.vector_store %arg9[%swap3A_77, %swap3A_78], %swap3A_81 {strides = array<i32>} : memref<80x128xf32, #tpu.memory_space<vmem>>, vector<1x16xf32>,
      %swap3A_82 = arith.index_cast %scan3A_47 : i32 to index
      %swap3A_83 = arith.constant 112 : index
      %swap3A_84 = tpu.vector_load %arg9[%swap3A_82, %swap3A_83] {strides = array<i32>} : memref<80x128xf32, #tpu.memory_space<vmem>>, vector<1x16xf32>,
      %swap3A_85 = vector.shape_cast %swap3A_84 : vector<1x16xf32> to vector<16xf32>
      %swap3A_86 = vector.shape_cast %broadcast_in_dim3A_3 : vector<16xf32> to vector<1x16xf32>
      tpu.vector_store %arg9[%swap3A_82, %swap3A_83], %swap3A_86 {strides = array<i32>} : memref<80x128xf32, #tpu.memory_space<vmem>>, vector<1x16xf32>,
    }
    %scan3A_9 = arith.constant 80 : i32
    %scan3A_10 = arith.constant 0 : i32
    %scan3A_11 = arith.constant 40 : i32
    %scan3A_12 = arith.addi %scan3A_10, %scan3A_11 : i32
    %scan3A_13 = arith.constant 1 : i32
    scf.for %scan3A_47 = %scan3A_10 to %scan3A_12 step %scan3A_13  : i32 {
      %mul3A_48 = arith.constant 16 : i32
      %mul3A_49 = arith.muli %scan3A_47, %mul3A_48 : i32
      %swap3A = arith.index_cast %mul3A_49 : i32 to index
      %swap3A_50 = tpu.vector_load %arg11[%swap3A] {strides = array<i32>} : memref<640xf32, #tpu.memory_space<vmem>>, vector<16xf32>,
      %swap3A_51 = vector.shape_cast %swap3A_50 : vector<16xf32> to vector<16xf32>
      %swap3A_52 = vector.shape_cast %broadcast_in_dim3A_3 : vector<16xf32> to vector<16xf32>
      tpu.vector_store %arg11[%swap3A], %swap3A_52 {strides = array<i32>} : memref<640xf32, #tpu.memory_space<vmem>>, vector<16xf32>,
    }
    %scan3A_14 = arith.constant 40 : i32
    %scan3A_15 = arith.constant 0 : i32
    %scan3A_16 = arith.constant 5 : i32
    %scan3A_17 = arith.addi %scan3A_15, %scan3A_16 : i32
    %scan3A_18 = arith.constant 1 : i32
    scf.for %scan3A_47 = %scan3A_15 to %scan3A_17 step %scan3A_18  : i32 {
      %mul3A_48 = arith.constant 16 : i32
      %mul3A_49 = arith.muli %scan3A_47, %mul3A_48 : i32
      %swap3A = arith.index_cast %mul3A_49 : i32 to index
      %swap3A_50 = tpu.vector_load %arg10[%swap3A] {strides = array<i32>} : memref<80xf32, #tpu.memory_space<vmem>>, vector<16xf32>,
      %swap3A_51 = vector.shape_cast %swap3A_50 : vector<16xf32> to vector<16xf32>
      %swap3A_52 = vector.shape_cast %broadcast_in_dim3A_5 : vector<16xf32> to vector<16xf32>
      tpu.vector_store %arg10[%swap3A], %swap3A_52 {strides = array<i32>} : memref<80xf32, #tpu.memory_space<vmem>>, vector<16xf32>,
    }
    %scan3A_19 = arith.constant 5 : i32
    %add3A_20 = arith.constant 0 : i32
    %add3A_21 = arith.addi %mul3A_2, %add3A_20 : i32
    "tpu.region"() ({
      %run_scoped3A = tpu.sem_alloc : memref<!tpu.dma_semaphore, #tpu.memory_space<semaphore_mem>>
      %dma_start3A = arith.constant 0 : i32
      %dma_start3A_47 = tpu.memref_slice %arg12[%add3A_21, %dma_start3A] : memref<10240x128xf32, #tpu.memory_space<vmem_shared>> -> memref<80x128xf32, #tpu.memory_space<vmem_shared>>
      %dma_start3A_48 = arith.constant 0 : i32
      %dma_start3A_49 = tpu.memref_slice %arg12[%add3A_21, %dma_start3A_48] : memref<10240x128xf32, #tpu.memory_space<vmem_shared>> -> memref<80x128xf32, #tpu.memory_space<vmem_shared>>
      tpu.enqueue_dma source(%arg9 : memref<80x128xf32, #tpu.memory_space<vmem>>) target(%dma_start3A_49 : memref<80x128xf32, #tpu.memory_space<vmem_shared>>) target_semaphore(%run_scoped3A : memref<!tpu.dma_semaphore, #tpu.memory_space<semaphore_mem>>)
      %dma_wait3A = arith.constant 0 : i32
      %dma_wait3A_50 = tpu.memref_slice %arg12[%add3A_21, %dma_wait3A] : memref<10240x128xf32, #tpu.memory_space<vmem_shared>> -> memref<80x128xf32, #tpu.memory_space<vmem_shared>>
      %dma_wait3A_51 = arith.constant 0 : i32
      %dma_wait3A_52 = tpu.memref_slice %arg12[%add3A_21, %dma_wait3A_51] : memref<10240x128xf32, #tpu.memory_space<vmem_shared>> -> memref<80x128xf32, #tpu.memory_space<vmem_shared>>
      tpu.wait_dma2 semaphore(%run_scoped3A : memref<!tpu.dma_semaphore, #tpu.memory_space<semaphore_mem>>) src(%arg9 : memref<80x128xf32, #tpu.memory_space<vmem>>) dst(%dma_wait3A_52 : memref<80x128xf32, #tpu.memory_space<vmem_shared>>)
      tpu.yield
    }) : () -> ()
    %add3A_22 = arith.constant 80 : i32
    %add3A_23 = arith.addi %mul3A_2, %add3A_22 : i32
    "tpu.region"() ({
      %run_scoped3A = tpu.sem_alloc : memref<!tpu.dma_semaphore, #tpu.memory_space<semaphore_mem>>
      %dma_start3A = arith.constant 0 : i32
      %dma_start3A_47 = tpu.memref_slice %arg12[%add3A_23, %dma_start3A] : memref<10240x128xf32, #tpu.memory_space<vmem_shared>> -> memref<80x128xf32, #tpu.memory_space<vmem_shared>>
      %dma_start3A_48 = arith.constant 0 : i32
      %dma_start3A_49 = tpu.memref_slice %arg12[%add3A_23, %dma_start3A_48] : memref<10240x128xf32, #tpu.memory_space<vmem_shared>> -> memref<80x128xf32, #tpu.memory_space<vmem_shared>>
      tpu.enqueue_dma source(%arg9 : memref<80x128xf32, #tpu.memory_space<vmem>>) target(%dma_start3A_49 : memref<80x128xf32, #tpu.memory_space<vmem_shared>>) target_semaphore(%run_scoped3A : memref<!tpu.dma_semaphore, #tpu.memory_space<semaphore_mem>>)
      %dma_wait3A = arith.constant 0 : i32
      %dma_wait3A_50 = tpu.memref_slice %arg12[%add3A_23, %dma_wait3A] : memref<10240x128xf32, #tpu.memory_space<vmem_shared>> -> memref<80x128xf32, #tpu.memory_space<vmem_shared>>
      %dma_wait3A_51 = arith.constant 0 : i32
      %dma_wait3A_52 = tpu.memref_slice %arg12[%add3A_23, %dma_wait3A_51] : memref<10240x128xf32, #tpu.memory_space<vmem_shared>> -> memref<80x128xf32, #tpu.memory_space<vmem_shared>>
      tpu.wait_dma2 semaphore(%run_scoped3A : memref<!tpu.dma_semaphore, #tpu.memory_space<semaphore_mem>>) src(%arg9 : memref<80x128xf32, #tpu.memory_space<vmem>>) dst(%dma_wait3A_52 : memref<80x128xf32, #tpu.memory_space<vmem_shared>>)
      tpu.yield
    }) : () -> ()
    %add3A_24 = arith.constant 160 : i32
    %add3A_25 = arith.addi %mul3A_2, %add3A_24 : i32
    "tpu.region"() ({
      %run_scoped3A = tpu.sem_alloc : memref<!tpu.dma_semaphore, #tpu.memory_space<semaphore_mem>>
      %dma_start3A = arith.constant 0 : i32
      %dma_start3A_47 = tpu.memref_slice %arg12[%add3A_25, %dma_start3A] : memref<10240x128xf32, #tpu.memory_space<vmem_shared>> -> memref<80x128xf32, #tpu.memory_space<vmem_shared>>
      %dma_start3A_48 = arith.constant 0 : i32
      %dma_start3A_49 = tpu.memref_slice %arg12[%add3A_25, %dma_start3A_48] : memref<10240x128xf32, #tpu.memory_space<vmem_shared>> -> memref<80x128xf32, #tpu.memory_space<vmem_shared>>
      tpu.enqueue_dma source(%arg9 : memref<80x128xf32, #tpu.memory_space<vmem>>) target(%dma_start3A_49 : memref<80x128xf32, #tpu.memory_space<vmem_shared>>) target_semaphore(%run_scoped3A : memref<!tpu.dma_semaphore, #tpu.memory_space<semaphore_mem>>)
      %dma_wait3A = arith.constant 0 : i32
      %dma_wait3A_50 = tpu.memref_slice %arg12[%add3A_25, %dma_wait3A] : memref<10240x128xf32, #tpu.memory_space<vmem_shared>> -> memref<80x128xf32, #tpu.memory_space<vmem_shared>>
      %dma_wait3A_51 = arith.constant 0 : i32
      %dma_wait3A_52 = tpu.memref_slice %arg12[%add3A_25, %dma_wait3A_51] : memref<10240x128xf32, #tpu.memory_space<vmem_shared>> -> memref<80x128xf32, #tpu.memory_space<vmem_shared>>
      tpu.wait_dma2 semaphore(%run_scoped3A : memref<!tpu.dma_semaphore, #tpu.memory_space<semaphore_mem>>) src(%arg9 : memref<80x128xf32, #tpu.memory_space<vmem>>) dst(%dma_wait3A_52 : memref<80x128xf32, #tpu.memory_space<vmem_shared>>)
      tpu.yield
    }) : () -> ()
    %add3A_26 = arith.constant 240 : i32
    %add3A_27 = arith.addi %mul3A_2, %add3A_26 : i32
    "tpu.region"() ({
      %run_scoped3A = tpu.sem_alloc : memref<!tpu.dma_semaphore, #tpu.memory_space<semaphore_mem>>
      %dma_start3A = arith.constant 0 : i32
      %dma_start3A_47 = tpu.memref_slice %arg12[%add3A_27, %dma_start3A] : memref<10240x128xf32, #tpu.memory_space<vmem_shared>> -> memref<80x128xf32, #tpu.memory_space<vmem_shared>>
      %dma_start3A_48 = arith.constant 0 : i32
      %dma_start3A_49 = tpu.memref_slice %arg12[%add3A_27, %dma_start3A_48] : memref<10240x128xf32, #tpu.memory_space<vmem_shared>> -> memref<80x128xf32, #tpu.memory_space<vmem_shared>>
      tpu.enqueue_dma source(%arg9 : memref<80x128xf32, #tpu.memory_space<vmem>>) target(%dma_start3A_49 : memref<80x128xf32, #tpu.memory_space<vmem_shared>>) target_semaphore(%run_scoped3A : memref<!tpu.dma_semaphore, #tpu.memory_space<semaphore_mem>>)
      %dma_wait3A = arith.constant 0 : i32
      %dma_wait3A_50 = tpu.memref_slice %arg12[%add3A_27, %dma_wait3A] : memref<10240x128xf32, #tpu.memory_space<vmem_shared>> -> memref<80x128xf32, #tpu.memory_space<vmem_shared>>
      %dma_wait3A_51 = arith.constant 0 : i32
      %dma_wait3A_52 = tpu.memref_slice %arg12[%add3A_27, %dma_wait3A_51] : memref<10240x128xf32, #tpu.memory_space<vmem_shared>> -> memref<80x128xf32, #tpu.memory_space<vmem_shared>>
      tpu.wait_dma2 semaphore(%run_scoped3A : memref<!tpu.dma_semaphore, #tpu.memory_space<semaphore_mem>>) src(%arg9 : memref<80x128xf32, #tpu.memory_space<vmem>>) dst(%dma_wait3A_52 : memref<80x128xf32, #tpu.memory_space<vmem_shared>>)
      tpu.yield
    }) : () -> ()
    %add3A_28 = arith.constant 320 : i32
    %add3A_29 = arith.addi %mul3A_2, %add3A_28 : i32
    "tpu.region"() ({
      %run_scoped3A = tpu.sem_alloc : memref<!tpu.dma_semaphore, #tpu.memory_space<semaphore_mem>>
      %dma_start3A = arith.constant 0 : i32
      %dma_start3A_47 = tpu.memref_slice %arg12[%add3A_29, %dma_start3A] : memref<10240x128xf32, #tpu.memory_space<vmem_shared>> -> memref<80x128xf32, #tpu.memory_space<vmem_shared>>
      %dma_start3A_48 = arith.constant 0 : i32
      %dma_start3A_49 = tpu.memref_slice %arg12[%add3A_29, %dma_start3A_48] : memref<10240x128xf32, #tpu.memory_space<vmem_shared>> -> memref<80x128xf32, #tpu.memory_space<vmem_shared>>
      tpu.enqueue_dma source(%arg9 : memref<80x128xf32, #tpu.memory_space<vmem>>) target(%dma_start3A_49 : memref<80x128xf32, #tpu.memory_space<vmem_shared>>) target_semaphore(%run_scoped3A : memref<!tpu.dma_semaphore, #tpu.memory_space<semaphore_mem>>)
      %dma_wait3A = arith.constant 0 : i32
      %dma_wait3A_50 = tpu.memref_slice %arg12[%add3A_29, %dma_wait3A] : memref<10240x128xf32, #tpu.memory_space<vmem_shared>> -> memref<80x128xf32, #tpu.memory_space<vmem_shared>>
      %dma_wait3A_51 = arith.constant 0 : i32
      %dma_wait3A_52 = tpu.memref_slice %arg12[%add3A_29, %dma_wait3A_51] : memref<10240x128xf32, #tpu.memory_space<vmem_shared>> -> memref<80x128xf32, #tpu.memory_space<vmem_shared>>
      tpu.wait_dma2 semaphore(%run_scoped3A : memref<!tpu.dma_semaphore, #tpu.memory_space<semaphore_mem>>) src(%arg9 : memref<80x128xf32, #tpu.memory_space<vmem>>) dst(%dma_wait3A_52 : memref<80x128xf32, #tpu.memory_space<vmem_shared>>)
      tpu.yield
    }) : () -> ()
    %add3A_30 = arith.constant 400 : i32
    %add3A_31 = arith.addi %mul3A_2, %add3A_30 : i32
    "tpu.region"() ({
      %run_scoped3A = tpu.sem_alloc : memref<!tpu.dma_semaphore, #tpu.memory_space<semaphore_mem>>
      %dma_start3A = arith.constant 0 : i32
      %dma_start3A_47 = tpu.memref_slice %arg12[%add3A_31, %dma_start3A] : memref<10240x128xf32, #tpu.memory_space<vmem_shared>> -> memref<80x128xf32, #tpu.memory_space<vmem_shared>>
      %dma_start3A_48 = arith.constant 0 : i32
      %dma_start3A_49 = tpu.memref_slice %arg12[%add3A_31, %dma_start3A_48] : memref<10240x128xf32, #tpu.memory_space<vmem_shared>> -> memref<80x128xf32, #tpu.memory_space<vmem_shared>>
      tpu.enqueue_dma source(%arg9 : memref<80x128xf32, #tpu.memory_space<vmem>>) target(%dma_start3A_49 : memref<80x128xf32, #tpu.memory_space<vmem_shared>>) target_semaphore(%run_scoped3A : memref<!tpu.dma_semaphore, #tpu.memory_space<semaphore_mem>>)
      %dma_wait3A = arith.constant 0 : i32
      %dma_wait3A_50 = tpu.memref_slice %arg12[%add3A_31, %dma_wait3A] : memref<10240x128xf32, #tpu.memory_space<vmem_shared>> -> memref<80x128xf32, #tpu.memory_space<vmem_shared>>
      %dma_wait3A_51 = arith.constant 0 : i32
      %dma_wait3A_52 = tpu.memref_slice %arg12[%add3A_31, %dma_wait3A_51] : memref<10240x128xf32, #tpu.memory_space<vmem_shared>> -> memref<80x128xf32, #tpu.memory_space<vmem_shared>>
      tpu.wait_dma2 semaphore(%run_scoped3A : memref<!tpu.dma_semaphore, #tpu.memory_space<semaphore_mem>>) src(%arg9 : memref<80x128xf32, #tpu.memory_space<vmem>>) dst(%dma_wait3A_52 : memref<80x128xf32, #tpu.memory_space<vmem_shared>>)
      tpu.yield
    }) : () -> ()
    %add3A_32 = arith.constant 480 : i32
    %add3A_33 = arith.addi %mul3A_2, %add3A_32 : i32
    "tpu.region"() ({
      %run_scoped3A = tpu.sem_alloc : memref<!tpu.dma_semaphore, #tpu.memory_space<semaphore_mem>>
      %dma_start3A = arith.constant 0 : i32
      %dma_start3A_47 = tpu.memref_slice %arg12[%add3A_33, %dma_start3A] : memref<10240x128xf32, #tpu.memory_space<vmem_shared>> -> memref<80x128xf32, #tpu.memory_space<vmem_shared>>
      %dma_start3A_48 = arith.constant 0 : i32
      %dma_start3A_49 = tpu.memref_slice %arg12[%add3A_33, %dma_start3A_48] : memref<10240x128xf32, #tpu.memory_space<vmem_shared>> -> memref<80x128xf32, #tpu.memory_space<vmem_shared>>
      tpu.enqueue_dma source(%arg9 : memref<80x128xf32, #tpu.memory_space<vmem>>) target(%dma_start3A_49 : memref<80x128xf32, #tpu.memory_space<vmem_shared>>) target_semaphore(%run_scoped3A : memref<!tpu.dma_semaphore, #tpu.memory_space<semaphore_mem>>)
      %dma_wait3A = arith.constant 0 : i32
      %dma_wait3A_50 = tpu.memref_slice %arg12[%add3A_33, %dma_wait3A] : memref<10240x128xf32, #tpu.memory_space<vmem_shared>> -> memref<80x128xf32, #tpu.memory_space<vmem_shared>>
      %dma_wait3A_51 = arith.constant 0 : i32
      %dma_wait3A_52 = tpu.memref_slice %arg12[%add3A_33, %dma_wait3A_51] : memref<10240x128xf32, #tpu.memory_space<vmem_shared>> -> memref<80x128xf32, #tpu.memory_space<vmem_shared>>
      tpu.wait_dma2 semaphore(%run_scoped3A : memref<!tpu.dma_semaphore, #tpu.memory_space<semaphore_mem>>) src(%arg9 : memref<80x128xf32, #tpu.memory_space<vmem>>) dst(%dma_wait3A_52 : memref<80x128xf32, #tpu.memory_space<vmem_shared>>)
      tpu.yield
    }) : () -> ()
    %add3A_34 = arith.constant 560 : i32
    %add3A_35 = arith.addi %mul3A_2, %add3A_34 : i32
    "tpu.region"() ({
      %run_scoped3A = tpu.sem_alloc : memref<!tpu.dma_semaphore, #tpu.memory_space<semaphore_mem>>
      %dma_start3A = arith.constant 0 : i32
      %dma_start3A_47 = tpu.memref_slice %arg12[%add3A_35, %dma_start3A] : memref<10240x128xf32, #tpu.memory_space<vmem_shared>> -> memref<80x128xf32, #tpu.memory_space<vmem_shared>>
      %dma_start3A_48 = arith.constant 0 : i32
      %dma_start3A_49 = tpu.memref_slice %arg12[%add3A_35, %dma_start3A_48] : memref<10240x128xf32, #tpu.memory_space<vmem_shared>> -> memref<80x128xf32, #tpu.memory_space<vmem_shared>>
      tpu.enqueue_dma source(%arg9 : memref<80x128xf32, #tpu.memory_space<vmem>>) target(%dma_start3A_49 : memref<80x128xf32, #tpu.memory_space<vmem_shared>>) target_semaphore(%run_scoped3A : memref<!tpu.dma_semaphore, #tpu.memory_space<semaphore_mem>>)
      %dma_wait3A = arith.constant 0 : i32
      %dma_wait3A_50 = tpu.memref_slice %arg12[%add3A_35, %dma_wait3A] : memref<10240x128xf32, #tpu.memory_space<vmem_shared>> -> memref<80x128xf32, #tpu.memory_space<vmem_shared>>
      %dma_wait3A_51 = arith.constant 0 : i32
      %dma_wait3A_52 = tpu.memref_slice %arg12[%add3A_35, %dma_wait3A_51] : memref<10240x128xf32, #tpu.memory_space<vmem_shared>> -> memref<80x128xf32, #tpu.memory_space<vmem_shared>>
      tpu.wait_dma2 semaphore(%run_scoped3A : memref<!tpu.dma_semaphore, #tpu.memory_space<semaphore_mem>>) src(%arg9 : memref<80x128xf32, #tpu.memory_space<vmem>>) dst(%dma_wait3A_52 : memref<80x128xf32, #tpu.memory_space<vmem_shared>>)
      tpu.yield
    }) : () -> ()
    "tpu.region"() ({
      %run_scoped3A = tpu.sem_alloc : memref<!tpu.dma_semaphore, #tpu.memory_space<semaphore_mem>>
      %dma_start3A = tpu.memref_slice %arg13[%mul3A_2] : memref<10240xf32, #tpu.memory_space<vmem_shared>> -> memref<640xf32, #tpu.memory_space<vmem_shared>>
      %dma_start3A_47 = tpu.memref_slice %arg13[%mul3A_2] : memref<10240xf32, #tpu.memory_space<vmem_shared>> -> memref<640xf32, #tpu.memory_space<vmem_shared>>
      tpu.enqueue_dma source(%arg11 : memref<640xf32, #tpu.memory_space<vmem>>) target(%dma_start3A_47 : memref<640xf32, #tpu.memory_space<vmem_shared>>) target_semaphore(%run_scoped3A : memref<!tpu.dma_semaphore, #tpu.memory_space<semaphore_mem>>)
      %dma_wait3A = tpu.memref_slice %arg13[%mul3A_2] : memref<10240xf32, #tpu.memory_space<vmem_shared>> -> memref<640xf32, #tpu.memory_space<vmem_shared>>
      %dma_wait3A_48 = tpu.memref_slice %arg13[%mul3A_2] : memref<10240xf32, #tpu.memory_space<vmem_shared>> -> memref<640xf32, #tpu.memory_space<vmem_shared>>
      tpu.wait_dma2 semaphore(%run_scoped3A : memref<!tpu.dma_semaphore, #tpu.memory_space<semaphore_mem>>) src(%arg11 : memref<640xf32, #tpu.memory_space<vmem>>) dst(%dma_wait3A_48 : memref<640xf32, #tpu.memory_space<vmem_shared>>)
      tpu.yield
    }) : () -> ()
    %barrier3A = arith.constant 0 : index
    tpu.barrier barrier_id(%barrier3A)
    %mul3A_36 = arith.constant 10000 : i32
    %mul3A_37 = arith.muli %add3A, %mul3A_36 : i32
    %scan3A_38 = arith.constant 0 : i32
    %scan3A_39 = arith.constant 125 : i32
    %scan3A_40 = arith.addi %scan3A_38, %scan3A_39 : i32
    %scan3A_41 = arith.constant 1 : i32
    scf.for %scan3A_47 = %scan3A_38 to %scan3A_40 step %scan3A_41  : i32 {
      %mul3A_48 = arith.constant 80 : i32
      %mul3A_49 = arith.muli %scan3A_47, %mul3A_48 : i32
      %add3A_50 = arith.addi %mul3A_37, %mul3A_49 : i32
      %multiple_of3A_51 = tpu.assume_multiple %add3A_50, 8 : i32
      "tpu.region"() ({
        %run_scoped3A = tpu.sem_alloc : memref<!tpu.dma_semaphore, #tpu.memory_space<semaphore_mem>>
        %dma_start3A_56 = tpu.memref_slice %arg3[%multiple_of3A_51] : memref<320000xi32, #tpu.memory_space<hbm>> -> memref<80xi32, #tpu.memory_space<hbm>>
        %dma_start3A_57 = tpu.memref_slice %arg3[%multiple_of3A_51] : memref<320000xi32, #tpu.memory_space<hbm>> -> memref<80xi32, #tpu.memory_space<hbm>>
        tpu.enqueue_dma source(%dma_start3A_57 : memref<80xi32, #tpu.memory_space<hbm>>) target(%arg7 : memref<80xi32, #tpu.memory_space<vmem>>) target_semaphore(%run_scoped3A : memref<!tpu.dma_semaphore, #tpu.memory_space<semaphore_mem>>)
        %dma_wait3A_58 = tpu.memref_slice %arg3[%multiple_of3A_51] : memref<320000xi32, #tpu.memory_space<hbm>> -> memref<80xi32, #tpu.memory_space<hbm>>
        %dma_wait3A_59 = tpu.memref_slice %arg3[%multiple_of3A_51] : memref<320000xi32, #tpu.memory_space<hbm>> -> memref<80xi32, #tpu.memory_space<hbm>>
        tpu.wait_dma2 semaphore(%run_scoped3A : memref<!tpu.dma_semaphore, #tpu.memory_space<semaphore_mem>>) src(%dma_wait3A_59 : memref<80xi32, #tpu.memory_space<hbm>>) dst(%arg7 : memref<80xi32, #tpu.memory_space<vmem>>)
        tpu.yield
      }) : () -> ()
      "tpu.region"() ({
        %run_scoped3A = tpu.sem_alloc : memref<!tpu.dma_semaphore, #tpu.memory_space<semaphore_mem>>
        %dma_start3A_56 = tpu.memref_slice %arg4[%multiple_of3A_51] : memref<320000xi32, #tpu.memory_space<hbm>> -> memref<80xi32, #tpu.memory_space<hbm>>
        %dma_start3A_57 = tpu.memref_slice %arg4[%multiple_of3A_51] : memref<320000xi32, #tpu.memory_space<hbm>> -> memref<80xi32, #tpu.memory_space<hbm>>
        tpu.enqueue_dma source(%dma_start3A_57 : memref<80xi32, #tpu.memory_space<hbm>>) target(%arg8 : memref<80xi32, #tpu.memory_space<vmem>>) target_semaphore(%run_scoped3A : memref<!tpu.dma_semaphore, #tpu.memory_space<semaphore_mem>>)
        %dma_wait3A_58 = tpu.memref_slice %arg4[%multiple_of3A_51] : memref<320000xi32, #tpu.memory_space<hbm>> -> memref<80xi32, #tpu.memory_space<hbm>>
        %dma_wait3A_59 = tpu.memref_slice %arg4[%multiple_of3A_51] : memref<320000xi32, #tpu.memory_space<hbm>> -> memref<80xi32, #tpu.memory_space<hbm>>
        tpu.wait_dma2 semaphore(%run_scoped3A : memref<!tpu.dma_semaphore, #tpu.memory_space<semaphore_mem>>) src(%dma_wait3A_59 : memref<80xi32, #tpu.memory_space<hbm>>) dst(%arg8 : memref<80xi32, #tpu.memory_space<vmem>>)
        tpu.yield
      }) : () -> ()
      %dma_start3A = arith.constant 0 : i32
      %dma_start3A_52 = arith.constant 0 : i32
      %dma_start3A_53 = tpu.memref_slice %arg2[%dma_start3A, %dma_start3A_52] : memref<10000x128xf32, #tpu.memory_space<hbm>> -> memref<10000x128xf32, #tpu.memory_space<hbm>>
      tpu.enqueue_indirect_dma source(%dma_start3A_53 : memref<10000x128xf32, #tpu.memory_space<hbm>>) target(%arg9 : memref<80x128xf32, #tpu.memory_space<vmem>>) offsets(%arg7 : memref<80xi32, #tpu.memory_space<vmem>>) semaphore(%arg14 : memref<!tpu.dma_semaphore, #tpu.memory_space<semaphore_mem>>)
      %dma_wait3A = arith.constant 0 : i32
      %dma_wait3A_54 = arith.constant 0 : i32
      %dma_wait3A_55 = tpu.memref_slice %arg2[%dma_wait3A, %dma_wait3A_54] : memref<10000x128xf32, #tpu.memory_space<hbm>> -> memref<10000x128xf32, #tpu.memory_space<hbm>>
      tpu.wait_indirect_dma semaphore(%arg14 : memref<!tpu.dma_semaphore, #tpu.memory_space<semaphore_mem>>) src(%dma_wait3A_55 : memref<10000x128xf32, #tpu.memory_space<hbm>>) dst(%arg9 : memref<80x128xf32, #tpu.memory_space<vmem>>)
      "tpu.region"() ({
        %run_scoped3A = tpu.sem_alloc : memref<!tpu.dma_semaphore, #tpu.memory_space<semaphore_mem>>
        %dma_start3A_56 = arith.constant 0 : i32
        %dma_start3A_57 = arith.constant 0 : i32
        %dma_start3A_58 = tpu.memref_slice %arg12[%dma_start3A_56, %dma_start3A_57] : memref<10240x128xf32, #tpu.memory_space<vmem_shared>> -> memref<10240x128xf32, #tpu.memory_space<vmem_shared>>
        tpu.enqueue_indirect_dma source(%arg9 : memref<80x128xf32, #tpu.memory_space<vmem>>) target(%dma_start3A_58 : memref<10240x128xf32, #tpu.memory_space<vmem_shared>>) offsets(%arg8 : memref<80xi32, #tpu.memory_space<vmem>>) semaphore(%run_scoped3A : memref<!tpu.dma_semaphore, #tpu.memory_space<semaphore_mem>>) {add = true}
        %dma_wait3A_59 = arith.constant 0 : i32
        %dma_wait3A_60 = arith.constant 0 : i32
        %dma_wait3A_61 = tpu.memref_slice %arg12[%dma_wait3A_59, %dma_wait3A_60] : memref<10240x128xf32, #tpu.memory_space<vmem_shared>> -> memref<10240x128xf32, #tpu.memory_space<vmem_shared>>
        tpu.wait_indirect_dma semaphore(%run_scoped3A : memref<!tpu.dma_semaphore, #tpu.memory_space<semaphore_mem>>) src(%arg9 : memref<80x128xf32, #tpu.memory_space<vmem>>) dst(%dma_wait3A_61 : memref<10240x128xf32, #tpu.memory_space<vmem_shared>>)
        tpu.yield
      }) : () -> ()
      "tpu.region"() ({
        %run_scoped3A = tpu.sem_alloc : memref<!tpu.dma_semaphore, #tpu.memory_space<semaphore_mem>>
        %dma_start3A_56 = arith.constant 0 : i32
        %dma_start3A_57 = tpu.memref_slice %arg13[%dma_start3A_56] : memref<10240xf32, #tpu.memory_space<vmem_shared>> -> memref<10240xf32, #tpu.memory_space<vmem_shared>>
        tpu.enqueue_indirect_dma source(%arg10 : memref<80xf32, #tpu.memory_space<vmem>>) target(%dma_start3A_57 : memref<10240xf32, #tpu.memory_space<vmem_shared>>) offsets(%arg8 : memref<80xi32, #tpu.memory_space<vmem>>) semaphore(%run_scoped3A : memref<!tpu.dma_semaphore, #tpu.memory_space<semaphore_mem>>) {add = true}
        %dma_wait3A_58 = arith.constant 0 : i32
        %dma_wait3A_59 = tpu.memref_slice %arg13[%dma_wait3A_58] : memref<10240xf32, #tpu.memory_space<vmem_shared>> -> memref<10240xf32, #tpu.memory_space<vmem_shared>>
        tpu.wait_indirect_dma semaphore(%run_scoped3A : memref<!tpu.dma_semaphore, #tpu.memory_space<semaphore_mem>>) src(%arg10 : memref<80xf32, #tpu.memory_space<vmem>>) dst(%dma_wait3A_59 : memref<10240xf32, #tpu.memory_space<vmem_shared>>)
        tpu.yield
      }) : () -> ()
    }
    %scan3A_42 = arith.constant 125 : i32
    %barrier3A_43 = arith.constant 0 : index
    tpu.barrier barrier_id(%barrier3A_43)
    %mul3A_44 = arith.constant 10240 : i32
    %mul3A_45 = arith.muli %arg0, %mul3A_44 : i32
    %add3A_46 = arith.addi %mul3A_45, %mul3A_2 : i32
    %multiple_of3A = tpu.assume_multiple %add3A_46, 8 : i32
    "tpu.region"() ({
      %run_scoped3A = tpu.sem_alloc : memref<!tpu.dma_semaphore, #tpu.memory_space<semaphore_mem>>
      %dma_start3A = arith.constant 0 : i32
      %dma_start3A_47 = tpu.memref_slice %arg5[%multiple_of3A, %dma_start3A] : memref<20480x128xf32, #tpu.memory_space<hbm>> -> memref<640x128xf32, #tpu.memory_space<hbm>>
      %dma_start3A_48 = arith.constant 0 : i32
      %dma_start3A_49 = tpu.memref_slice %arg12[%mul3A_2, %dma_start3A_48] : memref<10240x128xf32, #tpu.memory_space<vmem_shared>> -> memref<640x128xf32, #tpu.memory_space<vmem_shared>>
      tpu.enqueue_dma source(%dma_start3A_49 : memref<640x128xf32, #tpu.memory_space<vmem_shared>>) target(%dma_start3A_47 : memref<640x128xf32, #tpu.memory_space<hbm>>) target_semaphore(%run_scoped3A : memref<!tpu.dma_semaphore, #tpu.memory_space<semaphore_mem>>)
      %dma_wait3A = arith.constant 0 : i32
      %dma_wait3A_50 = tpu.memref_slice %arg5[%multiple_of3A, %dma_wait3A] : memref<20480x128xf32, #tpu.memory_space<hbm>> -> memref<640x128xf32, #tpu.memory_space<hbm>>
      %dma_wait3A_51 = arith.constant 0 : i32
      %dma_wait3A_52 = tpu.memref_slice %arg12[%mul3A_2, %dma_wait3A_51] : memref<10240x128xf32, #tpu.memory_space<vmem_shared>> -> memref<640x128xf32, #tpu.memory_space<vmem_shared>>
      tpu.wait_dma2 semaphore(%run_scoped3A : memref<!tpu.dma_semaphore, #tpu.memory_space<semaphore_mem>>) src(%dma_wait3A_52 : memref<640x128xf32, #tpu.memory_space<vmem_shared>>) dst(%dma_wait3A_50 : memref<640x128xf32, #tpu.memory_space<hbm>>)
      tpu.yield
    }) : () -> ()
    "tpu.region"() ({
      %run_scoped3A = tpu.sem_alloc : memref<!tpu.dma_semaphore, #tpu.memory_space<semaphore_mem>>
      %dma_start3A = tpu.memref_slice %arg6[%multiple_of3A] : memref<20480xf32, #tpu.memory_space<hbm>> -> memref<640xf32, #tpu.memory_space<hbm>>
      %dma_start3A_47 = tpu.memref_slice %arg13[%mul3A_2] : memref<10240xf32, #tpu.memory_space<vmem_shared>> -> memref<640xf32, #tpu.memory_space<vmem_shared>>
      tpu.enqueue_dma source(%dma_start3A_47 : memref<640xf32, #tpu.memory_space<vmem_shared>>) target(%dma_start3A : memref<640xf32, #tpu.memory_space<hbm>>) target_semaphore(%run_scoped3A : memref<!tpu.dma_semaphore, #tpu.memory_space<semaphore_mem>>)
      %dma_wait3A = tpu.memref_slice %arg6[%multiple_of3A] : memref<20480xf32, #tpu.memory_space<hbm>> -> memref<640xf32, #tpu.memory_space<hbm>>
      %dma_wait3A_48 = tpu.memref_slice %arg13[%mul3A_2] : memref<10240xf32, #tpu.memory_space<vmem_shared>> -> memref<640xf32, #tpu.memory_space<vmem_shared>>
      tpu.wait_dma2 semaphore(%run_scoped3A : memref<!tpu.dma_semaphore, #tpu.memory_space<semaphore_mem>>) src(%dma_wait3A_48 : memref<640xf32, #tpu.memory_space<vmem_shared>>) dst(%dma_wait3A : memref<640xf32, #tpu.memory_space<hbm>>)
      tpu.yield
    }) : () -> ()
    return
  }
}

module attributes {stable_mosaic.version = 14 : i64} {
  func.func @body(%arg0: i32, %arg1: memref<2000x128xf32, #tpu.memory_space<vmem>>, %arg2: memref<2x2000x128xf32, #tpu.memory_space<vmem>>, %arg3: memref<2x2000x1xf32, #tpu.memory_space<vmem>>, %arg4: memref<128x128xf32, #tpu.memory_space<vmem>>, %arg5: memref<128x128xf32, #tpu.memory_space<vmem>>, %arg6: memref<1x128xf32, #tpu.memory_space<vmem>>, %arg7: memref<2000x128xf32, #tpu.memory_space<vmem>>) attributes {dimension_semantics = [#tpu.dimension_semantics<arbitrary>], iteration_bounds = array<i64: 5>, scalar_prefetch = 0 : i64, scratch_operands = 0 : i64, tpu.core_type = #tpu.core_type<tc>, window_params = [{transform_indices = @transform_0, window_bounds = array<i64: 2000, 128>}, {transform_indices = @transform_1, window_bounds = array<i64: 2, 2000, 128>}, {transform_indices = @transform_2, window_bounds = array<i64: 2, 2000, 1>}, {pipeline_mode = #tpu.pipeline_mode<synchronous>, transform_indices = @transform_3, window_bounds = array<i64: 128, 128>}, {pipeline_mode = #tpu.pipeline_mode<synchronous>, transform_indices = @transform_4, window_bounds = array<i64: 128, 128>}, {pipeline_mode = #tpu.pipeline_mode<synchronous>, transform_indices = @transform_5, window_bounds = array<i64: 1, 128>}, {transform_indices = @transform_6, window_bounds = array<i64: 2000, 128>}]} {
    %get3A = arith.constant 0 : index
    %get3A_0 = arith.constant 0 : index
    %get3A_1 = arith.constant 0 : index
    %get3A_2 = vector.load %arg2[%get3A, %get3A_0, %get3A_1] : memref<2x2000x128xf32, #tpu.memory_space<vmem>>, vector<1x2000x128xf32>
    %get3A_3 = vector.shape_cast %get3A_2 : vector<1x2000x128xf32> to vector<2000x128xf32>
    %get3A_4 = arith.constant 1 : index
    %get3A_5 = arith.constant 0 : index
    %get3A_6 = arith.constant 0 : index
    %get3A_7 = vector.load %arg2[%get3A_4, %get3A_5, %get3A_6] : memref<2x2000x128xf32, #tpu.memory_space<vmem>>, vector<1x2000x128xf32>
    %get3A_8 = vector.shape_cast %get3A_7 : vector<1x2000x128xf32> to vector<2000x128xf32>
    %add3A = arith.addf %get3A_3, %get3A_8 : vector<2000x128xf32>
    %get3A_9 = arith.constant 0 : index
    %get3A_10 = arith.constant 0 : index
    %get3A_11 = arith.constant 0 : index
    %get3A_12 = vector.load %arg3[%get3A_9, %get3A_10, %get3A_11] : memref<2x2000x1xf32, #tpu.memory_space<vmem>>, vector<1x2000x1xf32>
    %get3A_13 = vector.shape_cast %get3A_12 : vector<1x2000x1xf32> to vector<2000x1xf32>
    %get3A_14 = arith.constant 1 : index
    %get3A_15 = arith.constant 0 : index
    %get3A_16 = arith.constant 0 : index
    %get3A_17 = vector.load %arg3[%get3A_14, %get3A_15, %get3A_16] : memref<2x2000x1xf32, #tpu.memory_space<vmem>>, vector<1x2000x1xf32>
    %get3A_18 = vector.shape_cast %get3A_17 : vector<1x2000x1xf32> to vector<2000x1xf32>
    %add3A_19 = arith.addf %get3A_13, %get3A_18 : vector<2000x1xf32>
    %max3A = arith.constant 1.000000e+00 : f32
    %max3A_20 = vector.broadcast %max3A : f32 to vector<2000x1xf32>
    %max3A_21 = arith.maximumf %add3A_19, %max3A_20 : vector<2000x1xf32>
    %div3A = vector.broadcast %max3A_21 : vector<2000x1xf32> to vector<2000x128xf32>
    %div3A_22 = arith.divf %add3A, %div3A : vector<2000x128xf32>
    %get3A_23 = arith.constant 0 : index
    %get3A_24 = arith.constant 0 : index
    %get3A_25 = vector.load %arg1[%get3A_23, %get3A_24] : memref<2000x128xf32, #tpu.memory_space<vmem>>, vector<2000x128xf32>
    %get3A_26 = arith.constant 0 : index
    %get3A_27 = arith.constant 0 : index
    %get3A_28 = vector.load %arg4[%get3A_26, %get3A_27] : memref<128x128xf32, #tpu.memory_space<vmem>>, vector<128x128xf32>
    %dot_general3A = arith.constant dense<0.000000e+00> : vector<2000x128xf32>
    %dot_general3A_29 = tpu.matmul %get3A_25, %get3A_28, %dot_general3A {dimension_numbers = #tpu.dot_dimension_numbers<[1], [0], [0], [1], [0, 0, 1, 1], [], []>, transpose_lhs_hint = false} : vector<2000x128xf32>, vector<128x128xf32>, vector<2000x128xf32> -> vector<2000x128xf32>
    %get3A_30 = arith.constant 0 : index
    %get3A_31 = arith.constant 0 : index
    %get3A_32 = vector.load %arg5[%get3A_30, %get3A_31] : memref<128x128xf32, #tpu.memory_space<vmem>>, vector<128x128xf32>
    %dot_general3A_33 = arith.constant dense<0.000000e+00> : vector<2000x128xf32>
    %dot_general3A_34 = tpu.matmul %div3A_22, %get3A_32, %dot_general3A_33 {dimension_numbers = #tpu.dot_dimension_numbers<[1], [0], [0], [1], [0, 0, 1, 1], [], []>, transpose_lhs_hint = false} : vector<2000x128xf32>, vector<128x128xf32>, vector<2000x128xf32> -> vector<2000x128xf32>
    %add3A_35 = arith.addf %dot_general3A_29, %dot_general3A_34 : vector<2000x128xf32>
    %get3A_36 = arith.constant 0 : index
    %get3A_37 = arith.constant 0 : index
    %get3A_38 = vector.load %arg6[%get3A_36, %get3A_37] : memref<1x128xf32, #tpu.memory_space<vmem>>, vector<1x128xf32>
    %add3A_39 = vector.broadcast %get3A_38 : vector<1x128xf32> to vector<2000x128xf32>
    %add3A_40 = arith.addf %add3A_35, %add3A_39 : vector<2000x128xf32>
    %swap3A = arith.constant 0 : index
    %swap3A_41 = arith.constant 0 : index
    %swap3A_42 = vector.load %arg7[%swap3A, %swap3A_41] : memref<2000x128xf32, #tpu.memory_space<vmem>>, vector<2000x128xf32>
    tpu.vector_store %arg7[%swap3A, %swap3A_41], %add3A_40 {strides = array<i32>} : memref<2000x128xf32, #tpu.memory_space<vmem>>, vector<2000x128xf32>,
    return
  }
  func.func @transform_0(%arg0: i32) -> (i32, i32) {
    %c0_i32 = arith.constant 0 : i32
    %c0_i32_0 = arith.constant 0 : i32
    return %arg0, %c0_i32 : i32, i32
  }
  func.func @transform_1(%arg0: i32) -> (i32, i32, i32) {
    %c0_i32 = arith.constant 0 : i32
    %c0_i32_0 = arith.constant 0 : i32
    %c0_i32_1 = arith.constant 0 : i32
    return %c0_i32, %arg0, %c0_i32_0 : i32, i32, i32
  }
  func.func @transform_2(%arg0: i32) -> (i32, i32, i32) {
    %c0_i32 = arith.constant 0 : i32
    %c0_i32_0 = arith.constant 0 : i32
    %c0_i32_1 = arith.constant 0 : i32
    return %c0_i32, %arg0, %c0_i32_0 : i32, i32, i32
  }
  func.func @transform_3(%arg0: i32) -> (i32, i32) {
    %c0_i32 = arith.constant 0 : i32
    %c0_i32_0 = arith.constant 0 : i32
    %c0_i32_1 = arith.constant 0 : i32
    return %c0_i32, %c0_i32_0 : i32, i32
  }
  func.func @transform_4(%arg0: i32) -> (i32, i32) {
    %c0_i32 = arith.constant 0 : i32
    %c0_i32_0 = arith.constant 0 : i32
    %c0_i32_1 = arith.constant 0 : i32
    return %c0_i32, %c0_i32_0 : i32, i32
  }
  func.func @transform_5(%arg0: i32) -> (i32, i32) {
    %c0_i32 = arith.constant 0 : i32
    %c0_i32_0 = arith.constant 0 : i32
    %c0_i32_1 = arith.constant 0 : i32
    return %c0_i32, %c0_i32_0 : i32, i32
  }
  func.func @transform_6(%arg0: i32) -> (i32, i32) {
    %c0_i32 = arith.constant 0 : i32
    %c0_i32_0 = arith.constant 0 : i32
    return %arg0, %c0_i32 : i32, i32
  }
}

</mosaic_0001>

<sc_bundles>
// kernel: kernel.4.cloned.1.call-start
scs
__scs_entry_jumppad:
0x0: {  	(pc) =	sbr.rel $0x88, $3  }
0x1: {  	(tag) =	ssettag $0x0;
	lr =	simm.s32 $0x1  }
0x2: {  	[smem:$0x3F9C] =	sst lr;
	_ =	strace $0xD0000000  }
0x3: {  	_ = 	snop  }
0x4: {  	_ = 	snop  }
0x5: {  	_ = 	snop  }
0x6: {  	_ = 	snop  }
0x7: {  	_ = 	snop  }
__scs_overlays_trampoline_lowered:
0x8: {  	[smem:$0x3FAB] =	sst s0  }
0x9: {  	[smem:$0x3FAC] =	sst s1  }
0xa: {  	[smem:$0x3FAD] =	sst s2  }
0xb: {  	[smem:$0x3FAE] =	sst s3  }
0xc: {  	[smem:$0x3FAF] =	sst s4  }
0xd: {  	[smem:$0x3FB0] =	sst s5  }
0xe: {  	[smem:$0x3FB1] =	sst s6  }
0xf: {  	[smem:$0x3FB2] =	sst s7  }
0x10: {  	[smem:$0x3FB3] =	sst s8  }
0x11: {  	[smem:$0x3FB4] =	sst s9;
	s0 =	simm.s32 @!p0 $0x0  }
0x12: {  	s1 =	sld [smem:$0x3F9A];
	s0 =	simm.s32 @p0 $0x1  }
0x13: {  	[smem:$0x3FB5] =	sst s0;
	s0 =	simm.s32 @!p1 $0x0  }
0x14: {  	s2 =	sld [smem:$0x3F99];
	s0 =	simm.s32 @p1 $0x1  }
0x15: {  	[smem:$0x3FB6] =	sst s0;
	s0 =	simm.s32 @!p2 $0x0  }
0x16: {  	s3 =	sld [smem:$0x3FDB];
	s0 =	simm.s32 @p2 $0x1  }
0x17: {  	s4 =	simm.s32 $0x1BF5;
	[smem:$0x3FB8] =	sst s0  }
0x18: {  	s0 =	sld [smem:$0x3F9B];
	_ =	swait.ge [sflag:s4], $0x0  }
0x19: {  	s7 =	sld [smem:$0x3F9C]  }
0x1a: {  	s8 =	sadd.s32 $0xFFFFE003, lr  }
0x1b: {  	s9 =	sadd.s32 $0xFFFFFEF7, lr;
	s5 =	simm.s32 $0xFFFFFFFF;
	p2 =	slt.u32 s8, $0xFFFFF086  }
0x1c: {  	p1 =	slt.u32 s9, $0xF7A;
	s5 =	simm.s32 @!p2 $0x0  }
0x1d: {  	s5 =	simm.s32 @p1 $0x1;
	p0 =	seq.s32 s7, s2  }
0x1e: {  	s7 =	smul.u32 @!p0 $0xF7A, s2;
	p2 =	seq.s32 @!p0 s5, $0x0  }
0x1f: {  	s9 =	smul.u32 $0xF7A, s1;
	s8 =	simm.s32 @!p0 $0x1BF5;
	p2 =	por !p2, p0  }
0x20: {  	[sflag:s8] =	ssyncset.s32 @!p0 $0xFFFFF086;
	s6 =	sadd.s32 @!p0 s3, s7;
	s7 =	simm.s32 @!p0 $0x108  }
0x21: {  	s3 =	sadd.s32 s3, s9;
	s6 =	sadd.s32 @!p0 $0x88, s6;
	s7 =	simm.s32 @p2 $0x1082  }
0x22: {  	[simem:s7], [sflag:s8] =	dma.local @!p0 [hbm:s6], $0xF7A  }
0x23: {  	s9 =	sor.u32 $0xD0000000, s2;
	s6 =	simm.s32 $0x108;
	_ =	swait.ge @!p0 [sflag:s8], $0x0  }
0x24: {  	s3 =	sadd.s32 $0x88, s3;
	s6 =	simm.s32 @!p1 $0x1082;
	[sflag:s4] =	ssyncset.s32 $0xFFFFF086  }
0x25: {  	[simem:s6], [sflag:s4] =	dma.local [hbm:s3], $0xF7A  }
0x26: {  	[smem:$0x3F9C] =	sst s1;
	(tag) =	ssettag s2;
	_ =	strace s9  }
0x27: {  	s1 =	sld [smem:$0x3FAC]  }
0x28: {  	s2 =	sld [smem:$0x3FAD]  }
0x29: {  	s4 =	sld [smem:$0x3FAF]  }
0x2a: {  	p0 =	seq.s32 s5, $0x0;
	s5 =	sld [smem:$0x3FB0]  }
0x2b: {  	s6 =	sld [smem:$0x3FB1]  }
0x2c: {  	s7 =	sld [smem:$0x3FB2]  }
0x2d: {  	s3 =	simm.s32 $0x108;
	s8 =	sld [smem:$0x3FB3]  }
0x2e: {  	s3 =	simm.s32 @!p0 $0x1082;
	s9 =	sld [smem:$0x3FB4]  }
0x2f: {  	lr =	sadd.s32 s0, s3;
	s0 =	sld [smem:$0x3FAB]  }
0x30: {  	s3 =	sld [smem:$0x3FAE]  }
0x31: {  	[smem:$0x3FB7] =	sst s10  }
0x32: {  	s10 =	sld [smem:$0x3FB5];
	_ =	sdelay $0x3  }
0x33: {  	p0 =	seq.s32 s10, $0x1;
	s10 =	sld [smem:$0x3FB7];
	_ =	sdelay $0x3  }
0x34: {  	[smem:$0x3FB7] =	sst s10  }
0x35: {  	s10 =	sld [smem:$0x3FB6];
	_ =	sdelay $0x3  }
0x36: {  	p1 =	seq.s32 s10, $0x1;
	s10 =	sld [smem:$0x3FB7];
	_ =	sdelay $0x3  }
0x37: {  	[smem:$0x3FB7] =	sst s10  }
0x38: {  	s10 =	sld [smem:$0x3FB8]  }
0x39: {  	_ = 	snop;
	(pc) =	sbr.ind lr, $3  }
0x3a: {  	_ = 	snop  }
0x3b: {  	_ = 	snop  }
0x3c: {  	p2 =	seq.s32 s10, $0x1;
	s10 =	sld [smem:$0x3FB7]  }
0x3d: {  	_ =	shalt  }
0x3e: {  	_ =	shalt  }
0x3f: {  	_ =	shalt  }
0x40: {  	_ =	shalt  }
0x41: {  	_ =	shalt  }
0x42: {  	_ =	shalt  }
0x43: {  	_ =	shalt  }
0x44: {  	_ =	shalt  }
0x45: {  	_ =	shalt  }
0x46: {  	_ =	shalt  }
0x47: {  	_ =	shalt  }
0x48: {  	_ =	shalt  }
0x49: {  	_ =	shalt  }
0x4a: {  	_ =	shalt  }
0x4b: {  	_ =	shalt  }
0x4c: {  	_ =	shalt  }
0x4d: {  	_ =	shalt  }
0x4e: {  	_ =	shalt  }
0x4f: {  	_ =	shalt  }
0x50: {  	_ =	shalt  }
0x51: {  	_ =	shalt  }
0x52: {  	_ =	shalt  }
0x53: {  	_ =	shalt  }
0x54: {  	_ =	shalt  }
0x55: {  	_ =	shalt  }
0x56: {  	_ =	shalt  }
0x57: {  	_ =	shalt  }
0x58: {  	_ =	shalt  }
0x59: {  	_ =	shalt  }
0x5a: {  	_ =	shalt  }
0x5b: {  	_ =	shalt  }
0x5c: {  	_ =	shalt  }
0x5d: {  	_ =	shalt  }
0x5e: {  	_ =	shalt  }
0x5f: {  	_ =	shalt  }
0x60: {  	_ =	shalt  }
0x61: {  	_ =	shalt  }
0x62: {  	_ =	shalt  }
0x63: {  	_ =	shalt  }
0x64: {  	_ =	shalt  }
0x65: {  	_ =	shalt  }
0x66: {  	_ =	shalt  }
0x67: {  	_ =	shalt  }
0x68: {  	_ =	shalt  }
0x69: {  	_ =	shalt  }
0x6a: {  	_ =	shalt  }
0x6b: {  	_ =	shalt  }
0x6c: {  	_ =	shalt  }
0x6d: {  	_ =	shalt  }
0x6e: {  	_ =	shalt  }
0x6f: {  	_ =	shalt  }
0x70: {  	_ =	shalt  }
0x71: {  	_ =	shalt  }
0x72: {  	_ =	shalt  }
0x73: {  	_ =	shalt  }
0x74: {  	_ =	shalt  }
0x75: {  	_ =	shalt  }
0x76: {  	_ =	shalt  }
0x77: {  	_ =	shalt  }
0x78: {  	_ =	shalt  }
0x79: {  	_ =	shalt  }
0x7a: {  	_ =	shalt  }
0x7b: {  	_ =	shalt  }
0x7c: {  	_ =	shalt  }
0x7d: {  	_ =	shalt  }
0x7e: {  	_ =	shalt  }
0x7f: {  	_ =	shalt  }
0x80: {  	_ =	shalt  }
0x81: {  	_ =	shalt  }
0x82: {  	_ =	shalt  }
0x83: {  	_ =	shalt  }
0x84: {  	_ =	shalt  }
0x85: {  	_ =	shalt  }
0x86: {  	_ =	shalt  }
0x87: {  	_ =	shalt  }
.Lfunc_end0:
.L_simem_size_0:
called_computation_lowered:
.L_overlay_start_0:
0x88: {  	s2 =	sld [smem:$0x3FD9]  }
0x89: {  	s3 =	sld [smem:$0x3FFE];
	_ =	sdelay $0x1  }
0x8a: {  	s1 =	srdreg.scid  }
0x8b: {  	s0 =	sand.u32 $0x1, s1  }
0x8c: {  	s17 =	sshll.u32 s0, $0xA;
	s2 =	sadd.s32 s3, s2  }
0x8d: {  	s2 =	sadd.s32 s2, s17  }
0x8e: {  	[smem:$0x3FC3] =	sst s2  }
0x8f: {  	_ = 	snop  }
0x90: {  	s2 =	sld [smem:$0x3FC9]  }
0x91: {  	s18 =	sld [smem:$0x3FD0];
	(tm) =	ssettm $0x1  }
0x92: {  	s4 =	sld [smem:$0x3FFB];
	_ =	sdelay $0x3  }
0x93: {  	_ =	strace s4  }
0x94: {  	s4 =	sld [smem:$0x3FFC];
	_ =	sdelay $0x3  }
0x95: {  	_ =	strace s4  }
0x96: {  	s4 =	sld [smem:$0x3FFD];
	_ =	sdelay $0x3  }
0x97: {  	_ =	strace s4  }
0x98: {  	_ =	strace $0x8FFFFFFF  }
0x99: {  	s19 =	sld [smem:$0x3FDB];
	_ =	sdelay $0x1  }
0x9a: {  	s5 =	simm.s32 $_scs_section_size  }
0x9b: {  	s6 =	simm.s32 $_size__tile_overlayer_lowered;
	s7 =	simm.s32 $_tile_overlayer_lowered  }
0x9c: {  	s22 =	simm.s32 $0x1BFF;
	s21 =	sshll.u32 s7, $0x1;
	s4 =	sadd.s32 s5, s19  }
0x9d: {  	s8 =	simm.s32 $0x0;
	s20 =	sshll.u32 s6, $0x1;
	s6 =	sadd.s32 s21, s4  }
0x9e: {  	[timem:s8], [sflag:s22] =	dma.local [hbm:s6], s20  }
0x9f: {  	_ =	swait.ge [sflag:s22], s20  }
0xa0: {  	s5 =	ssub.s32 $0x0, s20;
	[sflag:s22] =	ssyncset.done $0x0  }
0xa1: {  	[sflag:s22] =	ssyncadd.s32 s5;
	_ =	sdelay $0x1  }
0xa2: {  	s23 =	simm.s32 $0x1B8B  }
0xa3: {  	_ =	swait.ge [sflag:s23], $0x1  }
0xa4: {  	[sflag:s23] =	ssyncset.done $0x0  }
0xa5: {  	s25 =	simm.s32 $0x1B8E;
	s24 =	sld [smem:$0x3FFE];
	[sflag:s23] =	ssyncadd.s32 $0xFFFFFFFF  }
0xa6: {  	s26 =	simm.s32 $execute0_lowered;
	[smem:$0x3FD2] =	sst s25  }
0xa7: {  	s6 =	sshll.u32 s26, $0x1;
	_ =	strace $0x80000046;
	[dreg:$0x1] =	wrdreg $0xFFFFFFFF  }
0xa8: {  	s28 =	simm.s32 $_size_execute0_lowered;
	s4 =	sadd.s32 s4, s6;
	[dreg:$0x0] =	wrdreg $0x0  }
0xa9: {  	s6 =	sshll.u32 s28, $0x1;
	[dreg:$0x2] =	wrdreg s4  }
0xaa: {  	[dreg:$0x3] =	wrdreg s6  }
0xab: {  	[dreg:$0x4] =	wrdreg $0xC0  }
0xac: {  	_ =	task [dreg:s8], $0x5FFFF  }
0xad: {  	[dreg:$0x1] =	wrdreg $0xFFFFFFFF  }
0xae: {  	[dreg:$0x0] =	wrdreg $0x60  }
0xaf: {  	[dreg:$0x2] =	wrdreg s2  }
0xb0: {  	[dreg:$0x3] =	wrdreg s24  }
0xb1: {  	[dreg:$0x4] =	wrdreg s18  }
0xb2: {  	[dreg:$0x5] =	wrdreg $0x2C000  }
0xb3: {  	[dreg:$0x6] =	wrdreg $0x16C000  }
0xb4: {  	[dreg:$0x7] =	wrdreg $0x9  }
0xb5: {  	_ =	task.clear_ibuf [dreg:s8], $0x8FFFF;
	_ =	strace $0x90000046  }
0xb6: {  	s29 =	simm.s32 $0x9;
	_ =	strace $0x80000048  }
0xb7: {  	_ =	swait.ge [sflag:s29], $0x1  }
0xb8: {  	[sflag:s29] =	ssyncadd.s32 $0xFFFFFFFF  }
0xb9: {  	_ =	strace $0x90000048  }
0xba: {  	_ =	sfence  }
0xbb: {  	s30 =	sld [smem:$0x0];
	_ =	sdelay $0x2  }
0xbc: {  	s31 =	sshll.u32 s1, $0xD;
	s1 =	sshrl.u32 s1, $0x2  }
0xbd: {  	s3 =	sand.u32 $0x4000, s31;
	s1 =	sadd.s32 s1, s30  }
0xbe: {  	s0 =	sor.u32 s3, s0;
	s1 =	sshll.u32 s1, $0x11  }
0xbf: {  	s0 =	sor.u32 s1, s0  }
0xc0: {  	s0 =	sadd.s32 $0x8F2B, s0  }
0xc1: {  	[sflag:s0] =	ssyncadd.remote.s32 $0x1  }
0xc2: {  	_ =	sfence.sel $0xFFFF  }
0xc3: {  	[dreg:$0x0] =	wrdreg $0xFFFFFFFF;
	(pc) =	sbr.abs _section_cstart, $3  }
0xc4: {  	[dreg:$0x1] =	wrdreg $0xFFFFFFFF  }
0xc5: {  	_ =	task.clear_ibuf [dreg:s8], $0x2FFFF;
	_ =	strace $0x9FFFFFFF  }
0xc6: {  	(tm) =	ssettm $0x7FFFFFFF  }
0xc7: {  	_ =	shalt  }
tec
execute0_lowered:
.L_overlay_start_1:
0x0: {  	(tag) =	ssettag $0x1  }
0x1: {  	s1 =	rddreg [dreg:$0x0]  }
0x2: {  	s6 =	rddreg [dreg:$0x1]  }
0x3: {  	s2 =	srdreg.scid;
	s18 =	rddreg [dreg:$0x2]  }
0x4: {  	s0 =	stileid.u32;
	s3 =	rddreg [dreg:$0x3]  }
0x5: {  	s4 =	rddreg [dreg:$0x4];
	s8 =	smul.u32 $0x4E20, s0  }
0x6: {  	s5 =	simm.s32 $0x0;
	s21 =	simm.s32 $0x2;
	s14 =	smul.u32 $0x280, s0  }
0x7: {  	s22 =	simm.s32 $0x2980;
	s7 =	sand.u32 $0x1, s2;
	s29 =	smul.u32 $0x50000, s0  }
0x8: {  	s23 =	simm.s32 $0x80;
	s24 =	simm.s32 $0x50;
	s9 =	smul.u32 $0x2710, s7  }
0x9: {  	[smem:$0x7FF] =	sst s5;
	s10 =	smul.u32 $0x2800, s7;
	s7 =	ssub.s32 $0x2, s7  }
0xa: {  	s28 =	simm.s32 $0x0;
	_ =	strace $0x80000047;
	s31 =	sshrl.u32 s7, $0x1  }
0xb: {  	s8 =	sadd.s32 s9, s8;
	s25 =	sadd.s32 s14, s10;
	s10 =	sshrl.u32 s29, $0x2  }
0xc: {  	s17 =	ssub.s32 s7, s31;
	s14 =	sadd.s32 s14, s4;
	s19 =	sshrl.u32 s8, $0x3  }
0xd: {  	s26 =	sshll.u32 s25, $0x4;
	s30 =	sshrl.u32 s25, $0x3;
	s17 =	smax.u32 s17, $0x1  }
0xe: {  	s25 =	simm.s32 $0x1;
	s20 =	sadd.s32 s19, s6;
	s15 =	sadd.s32 s26, s6  }
0xf: {  	s16 =	sadd.s32 s30, s6;
	s6 =	sadd.s32 s10, s3;
	s18 =	sadd.s32 s19, s18  }
0x10: {  	s26 =	simm.s32 $0x2900;
	s7 =	sadd.s32 $0x2800, s6;
	s8 =	sadd.s32 $0x5000, s6  }
0x11: {  	s9 =	sadd.s32 $0x7800, s6;
	s10 =	sadd.s32 $0xA000, s6;
	s11 =	sadd.s32 $0xC800, s6  }
0x12: {  	s12 =	sadd.s32 $0xF000, s6;
	s13 =	sadd.s32 $0x11800, s6;
	s15 =	sadd.s32 $0xB800, s15  }
0x13: {  	v0 =	vimm.f32 $0.0e+00;
	v1 =	vimm.f32 $1.000000000e+00;
	s16 =	sadd.s32 $0xAE00, s16;
	s19 =	sadd.s32 $0x1000, s20;
	s20 =	simm.s32 $0x100  }
.LBB2_1:
0x14: {  	s29 =	simm.s32 $0x0;
	s30 =	simm.s32 $0x200  }
.LBB2_2:
0x15: {  	p0 =	sne.s32 s30, $0x9E00;
	[tilespmem:s29+$0x170] =	vst v0  }
0x16: {  	[tilespmem:s29+$0x100] =	vst v0  }
0x17: {  	[tilespmem:s29+$0x110] =	vst v0  }
.Ltmp0:
0x18: {  	[tilespmem:s29+$0x120] =	vst v0;
	(pc) =	sbr.rel @p0 .LBB2_2-.Ltmp0, $4  }
0x19: {  	[tilespmem:s29+$0x130] =	vst v0  }
0x1a: {  	[tilespmem:s29+$0x140] =	vst v0  }
0x1b: {  	[tilespmem:s29+$0x150] =	vst v0  }
0x1c: {  	[tilespmem:s29+$0x160] =	vst v0;
	s29 =	sshra.s32 s30, $0x2;
	s30 =	sadd.s32 $0x200, s30  }
0x1d: {  	[tilespmem:s29+$0x170] =	vst v0  }
0x1e: {  	[tilespmem:s29+$0x100] =	vst v0  }
0x1f: {  	[tilespmem:s29+$0x110] =	vst v0  }
0x20: {  	[tilespmem:s29+$0x120] =	vst v0  }
0x21: {  	[tilespmem:s29+$0x130] =	vst v0  }
0x22: {  	[tilespmem:s29+$0x140] =	vst v0  }
0x23: {  	[tilespmem:s29+$0x150] =	vst v0  }
0x24: {  	[tilespmem:s29+$0x160] =	vst v0  }
0x25: {  	[tilespmem:$0x2980] =	vst v0  }
0x26: {  	[tilespmem:$0x2990] =	vst v0  }
0x27: {  	[tilespmem:$0x29A0] =	vst v0  }
0x28: {  	[tilespmem:$0x29B0] =	vst v0  }
0x29: {  	[tilespmem:$0x29C0] =	vst v0  }
0x2a: {  	[tilespmem:$0x29D0] =	vst v0  }
0x2b: {  	[tilespmem:$0x29E0] =	vst v0  }
0x2c: {  	[tilespmem:$0x29F0] =	vst v0  }
0x2d: {  	[tilespmem:$0x2A00] =	vst v0  }
0x2e: {  	[tilespmem:$0x2A10] =	vst v0  }
0x2f: {  	[tilespmem:$0x2A20] =	vst v0  }
0x30: {  	[tilespmem:$0x2A30] =	vst v0  }
0x31: {  	[tilespmem:$0x2A40] =	vst v0  }
0x32: {  	[tilespmem:$0x2A50] =	vst v0  }
0x33: {  	[tilespmem:$0x2A60] =	vst v0  }
0x34: {  	[tilespmem:$0x2A70] =	vst v0  }
0x35: {  	[tilespmem:$0x2A80] =	vst v0  }
0x36: {  	[tilespmem:$0x2A90] =	vst v0  }
0x37: {  	[tilespmem:$0x2AA0] =	vst v0  }
0x38: {  	[tilespmem:$0x2AB0] =	vst v0  }
0x39: {  	[tilespmem:$0x2AC0] =	vst v0  }
0x3a: {  	[tilespmem:$0x2AD0] =	vst v0  }
0x3b: {  	[tilespmem:$0x2AE0] =	vst v0  }
0x3c: {  	[tilespmem:$0x2AF0] =	vst v0  }
0x3d: {  	[tilespmem:$0x2B00] =	vst v0  }
0x3e: {  	[tilespmem:$0x2B10] =	vst v0  }
0x3f: {  	[tilespmem:$0x2B20] =	vst v0  }
0x40: {  	[tilespmem:$0x2B30] =	vst v0  }
0x41: {  	[tilespmem:$0x2B40] =	vst v0  }
0x42: {  	[tilespmem:$0x2B50] =	vst v0  }
0x43: {  	[tilespmem:$0x2B60] =	vst v0  }
0x44: {  	[tilespmem:$0x2B70] =	vst v0  }
0x45: {  	[tilespmem:$0x2B80] =	vst v0  }
0x46: {  	[tilespmem:$0x2B90] =	vst v0  }
0x47: {  	[tilespmem:$0x2BA0] =	vst v0  }
0x48: {  	[tilespmem:$0x2BB0] =	vst v0  }
0x49: {  	[tilespmem:$0x2BC0] =	vst v0  }
0x4a: {  	[tilespmem:$0x2BD0] =	vst v0  }
0x4b: {  	[tilespmem:$0x2BE0] =	vst v0  }
0x4c: {  	[tilespmem:$0x2BF0] =	vst v0  }
0x4d: {  	[tilespmem:$0x2900] =	vst v1  }
0x4e: {  	[tilespmem:$0x2910] =	vst v1  }
0x4f: {  	[tilespmem:$0x2920] =	vst v1  }
0x50: {  	[tilespmem:$0x2930] =	vst v1  }
0x51: {  	[tilespmem:$0x2940] =	vst v1  }
0x52: {  	[spmem:s6] =	stream.linear.scatter [tilespmem:s20], [sflag:$0x2], $0x2800, $0x38;
	[tilespmem:$0x16E80] =	vst v63  }
0x53: {  	_ =	swait.ge [sflag:s21], $0x2800  }
0x54: {  	[sflag:s21] =	ssyncset.done $0x0  }
0x55: {  	[sflag:s21] =	ssyncadd.s32 $0xFFFFD800  }
0x56: {  	[spmem:s7] =	stream.linear.scatter [tilespmem:s20], [sflag:$0x2], $0x2800, $0x38;
	[tilespmem:$0x16E80] =	vst v63  }
0x57: {  	_ =	swait.ge [sflag:s21], $0x2800  }
0x58: {  	[sflag:s21] =	ssyncset.done $0x0  }
0x59: {  	[sflag:s21] =	ssyncadd.s32 $0xFFFFD800  }
0x5a: {  	[spmem:s8] =	stream.linear.scatter [tilespmem:s20], [sflag:$0x2], $0x2800, $0x38;
	[tilespmem:$0x16E80] =	vst v63  }
0x5b: {  	_ =	swait.ge [sflag:s21], $0x2800  }
0x5c: {  	[sflag:s21] =	ssyncset.done $0x0  }
0x5d: {  	[sflag:s21] =	ssyncadd.s32 $0xFFFFD800  }
0x5e: {  	[spmem:s9] =	stream.linear.scatter [tilespmem:s20], [sflag:$0x2], $0x2800, $0x38;
	[tilespmem:$0x16E80] =	vst v63  }
0x5f: {  	_ =	swait.ge [sflag:s21], $0x2800  }
0x60: {  	[sflag:s21] =	ssyncset.done $0x0  }
0x61: {  	[sflag:s21] =	ssyncadd.s32 $0xFFFFD800  }
0x62: {  	[spmem:s10] =	stream.linear.scatter [tilespmem:s20], [sflag:$0x2], $0x2800, $0x38;
	[tilespmem:$0x16E80] =	vst v63  }
0x63: {  	_ =	swait.ge [sflag:s21], $0x2800  }
0x64: {  	[sflag:s21] =	ssyncset.done $0x0  }
0x65: {  	[sflag:s21] =	ssyncadd.s32 $0xFFFFD800  }
0x66: {  	[spmem:s11] =	stream.linear.scatter [tilespmem:s20], [sflag:$0x2], $0x2800, $0x38;
	[tilespmem:$0x16E80] =	vst v63  }
0x67: {  	_ =	swait.ge [sflag:s21], $0x2800  }
0x68: {  	[sflag:s21] =	ssyncset.done $0x0  }
0x69: {  	[sflag:s21] =	ssyncadd.s32 $0xFFFFD800  }
0x6a: {  	[spmem:s12] =	stream.linear.scatter [tilespmem:s20], [sflag:$0x2], $0x2800, $0x38;
	[tilespmem:$0x16E80] =	vst v63  }
0x6b: {  	_ =	swait.ge [sflag:s21], $0x2800  }
0x6c: {  	[sflag:s21] =	ssyncset.done $0x0  }
0x6d: {  	[sflag:s21] =	ssyncadd.s32 $0xFFFFD800  }
0x6e: {  	[spmem:s13] =	stream.linear.scatter [tilespmem:s20], [sflag:$0x2], $0x2800, $0x38;
	[tilespmem:$0x16E80] =	vst v63  }
0x6f: {  	_ =	swait.ge [sflag:s21], $0x2800  }
0x70: {  	[sflag:s21] =	ssyncset.done $0x0  }
0x71: {  	[sflag:s21] =	ssyncadd.s32 $0xFFFFD800  }
0x72: {  	[spmem:s14] =	stream.linear.scatter [tilespmem:s22], [sflag:$0x2], $0x280, $0x38;
	[tilespmem:$0x16E80] =	vst v63  }
0x73: {  	_ =	swait.ge [sflag:s21], $0x280  }
0x74: {  	[sflag:s21] =	ssyncset.done $0x0  }
0x75: {  	[sflag:s21] =	ssyncadd.s32 $0xFFFFFD80  }
0x76: {  	s29 =	sadd.s32 $0x0, s19;
	[bflag:$0x0] =	sbarrier.arrive $0xFFFF  }
0x77: {  	[tilespmem:s5], [sflag:$0x2] =	stream.linear.gather [hbm4b:s29+s5], $0x50, $0x38;
	[tilespmem:$0x16E80] =	vst v63  }
0x78: {  	_ =	swait.ge [sflag:s21], $0x50  }
0x79: {  	[sflag:s21] =	ssyncset.done $0x0  }
0x7a: {  	s29 =	sadd.s32 $0x0, s18;
	[sflag:s21] =	ssyncadd.s32 $0xFFFFFFB0  }
0x7b: {  	[tilespmem:s23], [sflag:$0x2] =	stream.linear.gather [hbm4b:s29+s5], $0x50, $0x38;
	[tilespmem:$0x16E80] =	vst v63  }
0x7c: {  	_ =	swait.ge [sflag:s21], $0x50  }
0x7d: {  	[sflag:s21] =	ssyncset.done $0x0  }
0x7e: {  	[sflag:s21] =	ssyncadd.s32 $0xFFFFFFB0  }
0x7f: {  	[tilespmem:s20], [sflag:$0x1] =	stream.indirect.gather [hbm4b:s1+s24], $0x80, s5, s24, $0xb8;
	[tilespmem:$0x16E80] =	vst v63  }
0x80: {  	_ =	swait.ge [sflag:s25], $0x2800  }
0x81: {  	[sflag:s25] =	ssyncset.done $0x0  }
0x82: {  	[sflag:s25] =	ssyncadd.s32 $0xFFFFD800  }
0x83: {  	[spmem:s3] =	stream.indirect.scatter.add.f32 [tilespmem:s20], [sflag:$0x2], $0x80, s23, s24, $0xb8;
	[tilespmem:$0x16E80] =	vst v63  }
0x84: {  	_ =	swait.ge [sflag:s21], $0x2800  }
0x85: {  	[sflag:s21] =	ssyncset.done $0x0  }
0x86: {  	[sflag:s21] =	ssyncadd.s32 $0xFFFFD800  }
0x87: {  	[spmem:s4] =	stream.indirect.scatter.add.f32 [tilespmem:s26], [sflag:$0x2], $0x1, s23, s24, $0xb8;
	[tilespmem:$0x16E80] =	vst v63  }
0x88: {  	_ =	swait.ge [sflag:s21], $0x50  }
0x89: {  	s30 =	simm.s32 $0x14;
	s29 =	simm.s32 $0xA;
	[sflag:s21] =	ssyncset.done $0x0  }
.LBB2_4:
0x8a: {  	s31 =	sadd.s32 s29, s19  }
0x8b: {  	[sflag:s21] =	ssyncadd.s32 $0xFFFFFFB0;
	s2 =	smov.u32 s30;
	s0 =	sadd.s32 $0xA, s30  }
0x8c: {  	[tilespmem:s5], [sflag:$0x2] =	stream.linear.gather [hbm4b:s31+s5], $0x50, $0x38;
	[tilespmem:$0x16E80] =	vst v63  }
0x8d: {  	p0 =	sne.s32 s30, $0x4D8;
	_ =	swait.ge [sflag:s21], $0x50  }
0x8e: {  	[sflag:s21] =	ssyncset.done $0x0  }
0x8f: {  	s30 =	sadd.s32 s29, s18;
	s29 =	smov.u32 s2;
	[sflag:s21] =	ssyncadd.s32 $0xFFFFFFB0  }
0x90: {  	[tilespmem:s23], [sflag:$0x2] =	stream.linear.gather [hbm4b:s30+s5], $0x50, $0x38;
	[tilespmem:$0x16E80] =	vst v63  }
0x91: {  	_ =	swait.ge [sflag:s21], $0x50  }
0x92: {  	[sflag:s21] =	ssyncset.done $0x0  }
0x93: {  	[sflag:s21] =	ssyncadd.s32 $0xFFFFFFB0  }
0x94: {  	[tilespmem:s20], [sflag:$0x1] =	stream.indirect.gather [hbm4b:s1+s24], $0x80, s5, s24, $0xb8;
	[tilespmem:$0x16E80] =	vst v63  }
0x95: {  	_ =	swait.ge [sflag:s25], $0x2800  }
0x96: {  	[sflag:s25] =	ssyncset.done $0x0  }
0x97: {  	[sflag:s25] =	ssyncadd.s32 $0xFFFFD800  }
0x98: {  	[spmem:s3] =	stream.indirect.scatter.add.f32 [tilespmem:s20], [sflag:$0x2], $0x80, s23, s24, $0xb8;
	[tilespmem:$0x16E80] =	vst v63  }
0x99: {  	_ =	swait.ge [sflag:s21], $0x2800  }
.Ltmp1:
0x9a: {  	[sflag:s21] =	ssyncset.done $0x0;
	(pc) =	sbr.rel @p0 .LBB2_4-.Ltmp1, $4  }
0x9b: {  	[sflag:s21] =	ssyncadd.s32 $0xFFFFD800  }
0x9c: {  	[spmem:s4] =	stream.indirect.scatter.add.f32 [tilespmem:s26], [sflag:$0x2], $0x1, s23, s24, $0xb8;
	[tilespmem:$0x16E80] =	vst v63  }
0x9d: {  	_ =	swait.ge [sflag:s21], $0x50  }
0x9e: {  	s30 =	smov.u32 s0;
	[sflag:s21] =	ssyncset.done $0x0  }
0x9f: {  	s0 =	sadd.s32 s29, s19;
	[sflag:s21] =	ssyncadd.s32 $0xFFFFFFB0  }
0xa0: {  	[tilespmem:s5], [sflag:$0x2] =	stream.linear.gather [hbm4b:s0+s5], $0x50, $0x38;
	[tilespmem:$0x16E80] =	vst v63  }
0xa1: {  	_ =	swait.ge [sflag:s21], $0x50  }
0xa2: {  	[sflag:s21] =	ssyncset.done $0x0  }
0xa3: {  	s29 =	sadd.s32 s29, s18;
	[sflag:s21] =	ssyncadd.s32 $0xFFFFFFB0  }
0xa4: {  	[tilespmem:s23], [sflag:$0x2] =	stream.linear.gather [hbm4b:s29+s5], $0x50, $0x38;
	[tilespmem:$0x16E80] =	vst v63  }
0xa5: {  	_ =	swait.ge [sflag:s21], $0x50  }
0xa6: {  	[sflag:s21] =	ssyncset.done $0x0  }
0xa7: {  	[sflag:s21] =	ssyncadd.s32 $0xFFFFFFB0  }
0xa8: {  	[tilespmem:s20], [sflag:$0x1] =	stream.indirect.gather [hbm4b:s1+s24], $0x80, s5, s24, $0xb8;
	[tilespmem:$0x16E80] =	vst v63  }
0xa9: {  	_ =	swait.ge [sflag:s25], $0x2800  }
0xaa: {  	[sflag:s25] =	ssyncset.done $0x0  }
0xab: {  	[sflag:s25] =	ssyncadd.s32 $0xFFFFD800  }
0xac: {  	[spmem:s3] =	stream.indirect.scatter.add.f32 [tilespmem:s20], [sflag:$0x2], $0x80, s23, s24, $0xb8;
	[tilespmem:$0x16E80] =	vst v63  }
0xad: {  	_ =	swait.ge [sflag:s21], $0x2800  }
0xae: {  	[sflag:s21] =	ssyncset.done $0x0  }
0xaf: {  	[sflag:s21] =	ssyncadd.s32 $0xFFFFD800  }
0xb0: {  	[spmem:s4] =	stream.indirect.scatter.add.f32 [tilespmem:s26], [sflag:$0x2], $0x1, s23, s24, $0xb8;
	[tilespmem:$0x16E80] =	vst v63  }
0xb1: {  	_ =	swait.ge [sflag:s21], $0x50  }
0xb2: {  	s30 =	stileid.u32;
	[sflag:s21] =	ssyncset.done $0x0  }
0xb3: {  	s0 =	sshll.u32 s30, $0x6;
	[sflag:s21] =	ssyncadd.s32 $0xFFFFFFB0  }
0xb4: {  	s2 =	sshrl.u32 s6, $0x3;
	s0 =	sor.u32 $0x1C02, s0;
	[bflag:$0x0] =	sbarrier.arrive $0xFFFF  }
0xb5: {  	[hbm:s15], [sflag:s0] =	dma.local [spmem:s2], $0x2800  }
0xb6: {  	s28 =	sadd.s32 $0x1, s28;
	_ =	swait.ge [sflag:s21], $0x2800  }
0xb7: {  	p0 =	sne.s32 s28, s17;
	[sflag:s21] =	ssyncset.done $0x0  }
.Ltmp2:
0xb8: {  	s31 =	sshrl.u32 s14, $0x3;
	[sflag:s21] =	ssyncadd.s32 $0xFFFFD800;
	(pc) =	sbr.rel @p0 .LBB2_1-.Ltmp2, $4  }
0xb9: {  	[hbm:s16], [sflag:s0] =	dma.local [spmem:s31], $0x50  }
0xba: {  	_ =	swait.ge [sflag:s21], $0x50  }
0xbb: {  	[sflag:s21] =	ssyncset.done $0x0  }
0xbc: {  	[sflag:s21] =	ssyncadd.s32 $0xFFFFFFB0  }
0xbd: {  	_ =	sfence.sel $0x180000  }
0xbe: {  	[bflag:$0x0] =	sbarrier.arrive $0xFFFF  }
0xbf: {  	_ =	strace $0x90000047  }
0xc0: {  	s0 =	stileid.u32;
	[bflag:$0x2] =	sbarrier.arrive $0xFFFF  }
0xc1: {  	p0 =	sne.s32 s0, $0x0;
	s0 =	rddreg [dreg:$0x5]  }
0xc2: {  	s0 =	sadd.s32 @!p0 $0x100000, s0  }
0xc3: {  	[sflag:s0] =	ssyncadd.tile.s32 @!p0 $0x1;
	_ =	shalt  }
.Lfunc_end2:
_tile_overlayer_lowered:
.L_overlay_start_2:
0xc4: {  	(tag) =	ssettag $0x2  }
0xc5: {  	s0 =	rddreg [dreg:$0x0];
	s2 =	stileid.u32  }
0xc6: {  	s1 =	rddreg [dreg:$0x1];
	p0 =	sne.s32 s2, $0x0  }
0xc7: {  	s3 =	rddreg [dreg:$0x2];
	[bflag:$0x3] =	sbarrier.arrive $0xFFFF;
	s2 =	simm.s32 @!p0 $0x1C02  }
0xc8: {  	[timem:s3], [sflag:s2] =	dma.local @!p0 [hbm:s0], s1  }
0xc9: {  	s0 =	simm.s32 @!p0 $0x2  }
0xca: {  	_ =	swait.ge @!p0 [sflag:s0], s1  }
0xcb: {  	s1 =	ssub.s32 @!p0 $0x0, s1;
	[sflag:s0] =	ssyncset.done @!p0 $0x0  }
0xcc: {  	[sflag:s0] =	ssyncadd.s32 @!p0 s1  }
0xcd: {  	[bflag:$0x3] =	sbarrier.arrive $0xFFFF  }
0xce: {  	_ =	shalt  }

</sc_bundles>
